<compile_context>
chip_gen: v7x
topology: tpu7x:2x2x1
jax: 0.10.2.dev20260603
libtpu: 0.0.44.dev20260713+nightly
codegen_flags: <defaults>
</compile_context>

<pallas_src>
import functools

import jax
import jax.numpy as jnp
from jax import lax
from jax.experimental import pallas as pl
from jax.experimental.pallas import tpu as pltpu
from jax.experimental.pallas import tpu_sc as plsc

_NUM_CORES = 2
_NUM_SUBCORES = 16
_LANES = 16
_NW = _NUM_CORES * _NUM_SUBCORES


def _router_kernel(x_ref, rw_ref, idx_ref, gate_ref, *, experts, block):
    x = x_ref[0]
    lt = jax.lax.dot_general(rw_ref[...], x, (((0,), (1,)), ((), ())),
                             preferred_element_type=jnp.float32)
    mx = jnp.max(lt, axis=0, keepdims=True)
    ex = jnp.exp(lt - mx)
    s = jnp.sum(ex, axis=0, keepdims=True)
    probs = ex / s
    pm = jnp.max(probs, axis=0, keepdims=True)
    row = jax.lax.broadcasted_iota(jnp.int32, probs.shape, 0)
    first = jnp.min(jnp.where(probs == pm, row, experts), axis=0,
                    keepdims=True)
    idx_ref[...] = first[None]
    gate_ref[...] = pm[None]


def _expert_kernel(x_ref, ew_ref, eb_ref, sp_ref, out_ref):
    sp = sp_ref[...]
    s_row = jnp.sum(sp, axis=0, keepdims=True)
    ones = jnp.ones((1, 1), dtype=jnp.float32)
    s_col = jax.lax.dot_general(s_row, ones, (((0,), (0,)), ((), ())),
                                preferred_element_type=jnp.float32)
    x = x_ref[0]
    y = jax.lax.dot_general(x, ew_ref[...], (((1,), (1,)), ((), ())),
                            preferred_element_type=jnp.float32)
    out_ref[...] = ((y + eb_ref[...]) * s_col)[None]


def _make_sc_routing(T, experts, capacity):
    epw = experts // _NW
    n_vec = T // _LANES

    mesh = plsc.VectorSubcoreMesh(core_axis_name="c", subcore_axis_name="s",
                                  num_cores=_NUM_CORES)

    @functools.partial(
        pl.kernel,
        mesh=mesh,
        compiler_params=pltpu.CompilerParams(needs_layout_passes=False),
        out_type=jax.ShapeDtypeStruct((_NW, T), jnp.float32),
        scratch_types=[
            pltpu.VMEM((T,), jnp.int32),
            pltpu.VMEM((T,), jnp.float32),
            pltpu.VMEM((T,), jnp.float32),
        ],
    )
    def sc_routing(idx_hbm, gate_hbm, out_hbm, idx_v, gate_v, acc_v):
        c = lax.axis_index("c")
        s = lax.axis_index("s")
        wid = c * _NUM_SUBCORES + s
        e0v = jnp.full((_LANES,), wid * epw, jnp.int32)
        e1v = e0v + jnp.full((_LANES,), 1, jnp.int32)
        capv = jnp.full((_LANES,), capacity, jnp.int32)
        zerov = jnp.zeros((_LANES,), jnp.float32)
        onei = jnp.full((_LANES,), 1, jnp.int32)
        zeroi = jnp.zeros((_LANES,), jnp.int32)

        pltpu.sync_copy(idx_hbm, idx_v)
        pltpu.sync_copy(gate_hbm, gate_v)

        zero_base = jnp.zeros((_LANES,), jnp.int32)

        def body(i, carry):
            base0, base1 = carry
            off_a = pl.multiple_of(i * 2 * _LANES, _LANES)
            off_b = pl.multiple_of(i * 2 * _LANES + _LANES, _LANES)
            iv_a = idx_v[pl.ds(off_a, _LANES)]
            gv_a = gate_v[pl.ds(off_a, _LANES)]
            iv_b = idx_v[pl.ds(off_b, _LANES)]
            gv_b = gate_v[pl.ds(off_b, _LANES)]

            m0a = iv_a == e0v
            m1a = iv_a == e1v
            m0b = iv_b == e0v
            m1b = iv_b == e1v
            c0a = plsc.cumsum(jnp.where(m0a, onei, zeroi))
            c1a = plsc.cumsum(jnp.where(m1a, onei, zeroi))
            c0b = plsc.cumsum(jnp.where(m0b, onei, zeroi))
            c1b = plsc.cumsum(jnp.where(m1b, onei, zeroi))
            p0a = plsc.all_reduce_population_count(m0a)
            p1a = plsc.all_reduce_population_count(m1a)
            p0b = plsc.all_reduce_population_count(m0b)
            p1b = plsc.all_reduce_population_count(m1b)

            k0a = m0a & ((base0 + c0a) <= capv)
            k1a = m1a & ((base1 + c1a) <= capv)
            k0b = m0b & ((base0 + p0a + c0b) <= capv)
            k1b = m1b & ((base1 + p1a + c1b) <= capv)

            acc_v[pl.ds(off_a, _LANES)] = jnp.where(k0a | k1a, gv_a, zerov)
            acc_v[pl.ds(off_b, _LANES)] = jnp.where(k0b | k1b, gv_b, zerov)
            return base0 + p0a + p0b, base1 + p1a + p1b

        lax.fori_loop(0, n_vec // 2, body, (zero_base, zero_base))
        pltpu.sync_copy(acc_v, out_hbm.at[wid])

    return sc_routing


def kernel(x, router_w, expert_w, expert_b):
    B, S, H = x.shape
    E = router_w.shape[1]
    T = B * S
    capacity = T // E * 2
    block = 1024
    grid = T // block
    rblock = block
    rgrid = grid

    eb = expert_b.reshape(1, H)
    x4 = x.reshape(1, T, H)

    idx3, gate3 = pl.pallas_call(
        functools.partial(_router_kernel, experts=E, block=rblock),
        grid=(rgrid,),
        in_specs=[
            pl.BlockSpec((1, rblock, H), lambda i: (0, i, 0)),
            pl.BlockSpec((H, E), lambda i: (0, 0)),
        ],
        out_specs=[
            pl.BlockSpec((1, 1, rblock), lambda i: (i, 0, 0)),
            pl.BlockSpec((1, 1, rblock), lambda i: (i, 0, 0)),
        ],
        out_shape=[
            jax.ShapeDtypeStruct((rgrid, 1, rblock), jnp.int32),
            jax.ShapeDtypeStruct((rgrid, 1, rblock), jnp.float32),
        ],
    )(x4, router_w)

    sc_routing = _make_sc_routing(T, E, capacity)
    parts = sc_routing(idx3.reshape(T), gate3.reshape(T))

    out = pl.pallas_call(
        _expert_kernel,
        grid=(grid,),
        in_specs=[
            pl.BlockSpec((1, block, H), lambda i: (0, i, 0)),
            pl.BlockSpec((H, H), lambda i: (0, 0)),
            pl.BlockSpec((1, H), lambda i: (0, 0)),
            pl.BlockSpec((_NW, block), lambda i: (0, i)),
        ],
        out_specs=pl.BlockSpec((1, block, H), lambda i: (0, i, 0)),
        out_shape=jax.ShapeDtypeStruct((1, T, H), jnp.float32),
    )(x4, expert_w, eb, parts)
    return out.reshape(B, S, H)

# --- scband reference (transcript-rebuilt; emitter-appended) ---
"""Pipeline reference for scband-dist-sparse-moe-11630771437974 (READ-ONLY COPY).

The authoritative reference and input builder live on the scoring server;
editing this copy changes nothing except your own understanding.
"""

import jax, jax.numpy as jnp
import numpy as np

HIDDEN_DIM = 768
EXPERT_NUM = 64
CAPACITY_FACTOR = 2


def setup_inputs(seed: int = 0) -> dict:
    key = jax.random.key(seed)
    k1, k2, k3 = jax.random.split(key, 3)
    x = jax.random.normal(k1, (1, 2048, HIDDEN_DIM), dtype=jnp.float32)
    router_w = jax.random.normal(k2, (HIDDEN_DIM, EXPERT_NUM), dtype=jnp.float32) * 0.02
    expert_w = jax.random.normal(k3, (HIDDEN_DIM, HIDDEN_DIM), dtype=jnp.float32) * 0.02
    expert_b = jnp.zeros((HIDDEN_DIM,), dtype=jnp.float32)
    return {"x": x, "router_w": router_w, "expert_w": expert_w, "expert_b": expert_b}


def reference(x, router_w, expert_w, expert_b):
    B, S, H = x.shape
    E = router_w.shape[1]
    capacity = (B * S) // E * CAPACITY_FACTOR
    hidden = x.reshape(-1, H)  # [T, H]
    T = hidden.shape[0]

    # Router: logits over experts
    router_logits = hidden @ router_w  # [T, E]
    normalized_logits = jax.nn.softmax(router_logits, axis=1)

    # Top-1 expert assignment (argmax as in original forward)
    index_of_best_expert = jnp.argmax(normalized_logits, axis=1)  # [T]
    expert_mask = jax.nn.one_hot(index_of_best_expert, E, dtype=jnp.float32)  # [T, E]
    gate = jnp.sum(normalized_logits * expert_mask, axis=1)  # [T]

    # Positions within each expert's capacity buffer (fused cumsum - 1)
    locations = jnp.cumsum(expert_mask, axis=0) - 1.0  # [T, E]
    # Drop tokens beyond capacity
    expert_mask = expert_mask * (locations < capacity).astype(jnp.float32)
    locations_sum = jnp.sum(locations * expert_mask, axis=1).astype(jnp.int32)  # [T]

    new_gates = gate[:, None] * expert_mask  # [T, E]
    loc_onehot = jax.nn.one_hot(locations_sum, capacity, dtype=jnp.float32)  # [T, cap]

    # combine_weight: bmm([T,E,1],[T,1,cap]) -> [T, E, cap]
    combine_weight = jnp.einsum('te,tc->tec', new_gates, loc_onehot)
    dispatch_mask = (combine_weight != 0).astype(hidden.dtype)  # [T, E, cap]

    # Dispatch: [E*cap, T] @ [T, H] -> [E*cap, H]
    dispatch_2d = jnp.transpose(dispatch_mask, (1, 2, 0)).reshape(E * capacity, T)
    dispatched_input = dispatch_2d @ hidden

    # all_to_all is identity (single device / group=None path)
    dispatched_input = dispatched_input.reshape(1, 1, -1, H)

    # Single BasicExpert (linear layer) applied to the single chunk
    expert_output = jnp.dot(dispatched_input, expert_w.T) + expert_b

    # all_to_all identity again, reshape back
    expert_output = expert_output.reshape(E * capacity, H)

    # Combine: [T, E*cap] @ [E*cap, H] -> [T, H]
    combined_output = combine_weight.reshape(T, E * capacity) @ expert_output
    combined_output = combined_output.reshape(B, S, H)
    return combined_output

if __name__ == "__main__":
    import jax
    _d = setup_inputs()
    print(jax.jit(kernel)(*tuple(_d.values())))

</pallas_src>

<mosaic_0001>
#map = affine_map<(d0, d1) -> (0)>
#map1 = affine_map<(d0, d1) -> (0, 0)>
module attributes {stable_mosaic.version = 14 : i64} {
  func.func @sc_routing(%arg0: i32, %arg1: i32, %arg2: memref<2048xi32, #tpu.memory_space<hbm>>, %arg3: memref<2048xf32, #tpu.memory_space<hbm>>, %arg4: memref<32x2048xf32, #tpu.memory_space<hbm>>, %arg5: memref<2048xi32, #tpu.memory_space<vmem>>, %arg6: memref<2048xf32, #tpu.memory_space<vmem>>, %arg7: memref<2048xf32, #tpu.memory_space<vmem>>) attributes {dimension_semantics = [#tpu.dimension_semantics<core_parallel>, #tpu.dimension_semantics<subcore_parallel>], iteration_bounds = array<i64: 2, 16>, scalar_prefetch = 0 : i64, scratch_operands = 3 : i64, tpu.core_type = #tpu.core_type<sc_vector_subcore>, window_params = [{transform_indices = #map}, {transform_indices = #map}, {transform_indices = #map1}]} {
    %mul3A = arith.constant 16 : i32
    %mul3A_0 = arith.muli %arg0, %mul3A : i32
    %add3A = arith.addi %mul3A_0, %arg1 : i32
    %mul3A_1 = arith.constant 2 : i32
    %mul3A_2 = arith.muli %add3A, %mul3A_1 : i32
    %broadcast_in_dim3A = vector.broadcast %mul3A_2 : i32 to vector<16xi32>
    %broadcast_in_dim3A_3 = arith.constant 1 : i32
    %broadcast_in_dim3A_4 = vector.broadcast %broadcast_in_dim3A_3 : i32 to vector<16xi32>
    %add3A_5 = arith.addi %broadcast_in_dim3A, %broadcast_in_dim3A_4 : vector<16xi32>
    %broadcast_in_dim3A_6 = arith.constant 64 : i32
    %broadcast_in_dim3A_7 = vector.broadcast %broadcast_in_dim3A_6 : i32 to vector<16xi32>
    %broadcast_in_dim3A_8 = arith.constant 0.000000e+00 : f32
    %broadcast_in_dim3A_9 = vector.broadcast %broadcast_in_dim3A_8 : f32 to vector<16xf32>
    %broadcast_in_dim3A_10 = arith.constant 1 : i32
    %broadcast_in_dim3A_11 = vector.broadcast %broadcast_in_dim3A_10 : i32 to vector<16xi32>
    %broadcast_in_dim3A_12 = arith.constant 0 : i32
    %broadcast_in_dim3A_13 = vector.broadcast %broadcast_in_dim3A_12 : i32 to vector<16xi32>
    "tpu.region"() ({
      %run_scoped3A = tpu.sem_alloc : memref<!tpu.dma_semaphore, #tpu.memory_space<semaphore_mem>>
      tpu.enqueue_dma source(%arg2 : memref<2048xi32, #tpu.memory_space<hbm>>) target(%arg5 : memref<2048xi32, #tpu.memory_space<vmem>>) target_semaphore(%run_scoped3A : memref<!tpu.dma_semaphore, #tpu.memory_space<semaphore_mem>>)
      tpu.wait_dma2 semaphore(%run_scoped3A : memref<!tpu.dma_semaphore, #tpu.memory_space<semaphore_mem>>) src(%arg2 : memref<2048xi32, #tpu.memory_space<hbm>>) dst(%arg5 : memref<2048xi32, #tpu.memory_space<vmem>>)
      tpu.yield
    }) : () -> ()
    "tpu.region"() ({
      %run_scoped3A = tpu.sem_alloc : memref<!tpu.dma_semaphore, #tpu.memory_space<semaphore_mem>>
      tpu.enqueue_dma source(%arg3 : memref<2048xf32, #tpu.memory_space<hbm>>) target(%arg6 : memref<2048xf32, #tpu.memory_space<vmem>>) target_semaphore(%run_scoped3A : memref<!tpu.dma_semaphore, #tpu.memory_space<semaphore_mem>>)
      tpu.wait_dma2 semaphore(%run_scoped3A : memref<!tpu.dma_semaphore, #tpu.memory_space<semaphore_mem>>) src(%arg3 : memref<2048xf32, #tpu.memory_space<hbm>>) dst(%arg6 : memref<2048xf32, #tpu.memory_space<vmem>>)
      tpu.yield
    }) : () -> ()
    %broadcast_in_dim3A_14 = arith.constant 0 : i32
    %broadcast_in_dim3A_15 = vector.broadcast %broadcast_in_dim3A_14 : i32 to vector<16xi32>
    %scan3A = arith.constant 0 : i32
    %scan3A_16 = arith.constant 64 : i32
    %scan3A_17 = arith.addi %scan3A, %scan3A_16 : i32
    %scan3A_18 = arith.constant 1 : i32
    %scan3A_19:2 = scf.for %scan3A_21 = %scan3A to %scan3A_17 step %scan3A_18 iter_args(%scan3A_22 = %broadcast_in_dim3A_15, %scan3A_23 = %broadcast_in_dim3A_15) -> (vector<16xi32>, vector<16xi32>)  : i32 {
      %mul3A_24 = arith.constant 2 : i32
      %mul3A_25 = arith.muli %scan3A_21, %mul3A_24 : i32
      %mul3A_26 = arith.constant 16 : i32
      %mul3A_27 = arith.muli %mul3A_25, %mul3A_26 : i32
      %multiple_of3A = tpu.assume_multiple %mul3A_27, 16 : i32
      %mul3A_28 = arith.constant 2 : i32
      %mul3A_29 = arith.muli %scan3A_21, %mul3A_28 : i32
      %mul3A_30 = arith.constant 16 : i32
      %mul3A_31 = arith.muli %mul3A_29, %mul3A_30 : i32
      %add3A_32 = arith.constant 16 : i32
      %add3A_33 = arith.addi %mul3A_31, %add3A_32 : i32
      %multiple_of3A_34 = tpu.assume_multiple %add3A_33, 16 : i32
      %get3A = arith.index_cast %multiple_of3A : i32 to index
      %get3A_35 = tpu.vector_load %arg5[%get3A] {strides = array<i32>} : memref<2048xi32, #tpu.memory_space<vmem>>, vector<16xi32>,
      %get3A_36 = arith.index_cast %multiple_of3A : i32 to index
      %get3A_37 = tpu.vector_load %arg6[%get3A_36] {strides = array<i32>} : memref<2048xf32, #tpu.memory_space<vmem>>, vector<16xf32>,
      %get3A_38 = arith.index_cast %multiple_of3A_34 : i32 to index
      %get3A_39 = tpu.vector_load %arg5[%get3A_38] {strides = array<i32>} : memref<2048xi32, #tpu.memory_space<vmem>>, vector<16xi32>,
      %get3A_40 = arith.index_cast %multiple_of3A_34 : i32 to index
      %get3A_41 = tpu.vector_load %arg6[%get3A_40] {strides = array<i32>} : memref<2048xf32, #tpu.memory_space<vmem>>, vector<16xf32>,
      %eq3A = arith.cmpi eq, %get3A_35, %broadcast_in_dim3A : vector<16xi32>
      %eq3A_42 = arith.cmpi eq, %get3A_35, %add3A_5 : vector<16xi32>
      %eq3A_43 = arith.cmpi eq, %get3A_39, %broadcast_in_dim3A : vector<16xi32>
      %eq3A_44 = arith.cmpi eq, %get3A_39, %add3A_5 : vector<16xi32>
      %select_n3A = arith.select %eq3A, %broadcast_in_dim3A_11, %broadcast_in_dim3A_13 : vector<16xi1>, vector<16xi32>
      %broadcast_in_dim3A_45 = arith.constant true
      %broadcast_in_dim3A_46 = vector.broadcast %broadcast_in_dim3A_45 : i1 to vector<16xi1>
      %masked_cumsum3A = tpu.scan <sum>, %select_n3A masked %broadcast_in_dim3A_46 : vector<16xi32>, vector<16xi1> -> vector<16xi32>
      %select_n3A_47 = arith.select %eq3A_42, %broadcast_in_dim3A_11, %broadcast_in_dim3A_13 : vector<16xi1>, vector<16xi32>
      %broadcast_in_dim3A_48 = arith.constant true
      %broadcast_in_dim3A_49 = vector.broadcast %broadcast_in_dim3A_48 : i1 to vector<16xi1>
      %masked_cumsum3A_50 = tpu.scan <sum>, %select_n3A_47 masked %broadcast_in_dim3A_49 : vector<16xi32>, vector<16xi1> -> vector<16xi32>
      %select_n3A_51 = arith.select %eq3A_43, %broadcast_in_dim3A_11, %broadcast_in_dim3A_13 : vector<16xi1>, vector<16xi32>
      %broadcast_in_dim3A_52 = arith.constant true
      %broadcast_in_dim3A_53 = vector.broadcast %broadcast_in_dim3A_52 : i1 to vector<16xi1>
      %masked_cumsum3A_54 = tpu.scan <sum>, %select_n3A_51 masked %broadcast_in_dim3A_53 : vector<16xi32>, vector<16xi1> -> vector<16xi32>
      %select_n3A_55 = arith.select %eq3A_44, %broadcast_in_dim3A_11, %broadcast_in_dim3A_13 : vector<16xi1>, vector<16xi32>
      %broadcast_in_dim3A_56 = arith.constant true
      %broadcast_in_dim3A_57 = vector.broadcast %broadcast_in_dim3A_56 : i1 to vector<16xi1>
      %masked_cumsum3A_58 = tpu.scan <sum>, %select_n3A_55 masked %broadcast_in_dim3A_57 : vector<16xi32>, vector<16xi1> -> vector<16xi32>
      %all_reduce_population_count3A = tpu.all_reduce %eq3A {dim = 0 : i64, kind = #tpu.reduction_kind<sum>} : vector<16xi1> -> vector<16xi32>
      %all_reduce_population_count3A_59 = tpu.all_reduce %eq3A_42 {dim = 0 : i64, kind = #tpu.reduction_kind<sum>} : vector<16xi1> -> vector<16xi32>
      %all_reduce_population_count3A_60 = tpu.all_reduce %eq3A_43 {dim = 0 : i64, kind = #tpu.reduction_kind<sum>} : vector<16xi1> -> vector<16xi32>
      %all_reduce_population_count3A_61 = tpu.all_reduce %eq3A_44 {dim = 0 : i64, kind = #tpu.reduction_kind<sum>} : vector<16xi1> -> vector<16xi32>
      %add3A_62 = arith.addi %scan3A_22, %masked_cumsum3A : vector<16xi32>
      %le3A = arith.cmpi sle, %add3A_62, %broadcast_in_dim3A_7 : vector<16xi32>
      %and3A = arith.andi %eq3A, %le3A : vector<16xi1>
      %add3A_63 = arith.addi %scan3A_23, %masked_cumsum3A_50 : vector<16xi32>
      %le3A_64 = arith.cmpi sle, %add3A_63, %broadcast_in_dim3A_7 : vector<16xi32>
      %and3A_65 = arith.andi %eq3A_42, %le3A_64 : vector<16xi1>
      %add3A_66 = arith.addi %scan3A_22, %all_reduce_population_count3A : vector<16xi32>
      %add3A_67 = arith.addi %add3A_66, %masked_cumsum3A_54 : vector<16xi32>
      %le3A_68 = arith.cmpi sle, %add3A_67, %broadcast_in_dim3A_7 : vector<16xi32>
      %and3A_69 = arith.andi %eq3A_43, %le3A_68 : vector<16xi1>
      %add3A_70 = arith.addi %scan3A_23, %all_reduce_population_count3A_59 : vector<16xi32>
      %add3A_71 = arith.addi %add3A_70, %masked_cumsum3A_58 : vector<16xi32>
      %le3A_72 = arith.cmpi sle, %add3A_71, %broadcast_in_dim3A_7 : vector<16xi32>
      %and3A_73 = arith.andi %eq3A_44, %le3A_72 : vector<16xi1>
      %or3A = arith.ori %and3A, %and3A_65 : vector<16xi1>
      %select_n3A_74 = arith.select %or3A, %get3A_37, %broadcast_in_dim3A_9 : vector<16xi1>, vector<16xf32>
      %swap3A = arith.index_cast %multiple_of3A : i32 to index
      %swap3A_75 = tpu.vector_load %arg7[%swap3A] {strides = array<i32>} : memref<2048xf32, #tpu.memory_space<vmem>>, vector<16xf32>,
      tpu.vector_store %arg7[%swap3A], %select_n3A_74 {strides = array<i32>} : memref<2048xf32, #tpu.memory_space<vmem>>, vector<16xf32>,
      %or3A_76 = arith.ori %and3A_69, %and3A_73 : vector<16xi1>
      %select_n3A_77 = arith.select %or3A_76, %get3A_41, %broadcast_in_dim3A_9 : vector<16xi1>, vector<16xf32>
      %swap3A_78 = arith.index_cast %multiple_of3A_34 : i32 to index
      %swap3A_79 = tpu.vector_load %arg7[%swap3A_78] {strides = array<i32>} : memref<2048xf32, #tpu.memory_space<vmem>>, vector<16xf32>,
      tpu.vector_store %arg7[%swap3A_78], %select_n3A_77 {strides = array<i32>} : memref<2048xf32, #tpu.memory_space<vmem>>, vector<16xf32>,
      %add3A_80 = arith.addi %scan3A_22, %all_reduce_population_count3A : vector<16xi32>
      %add3A_81 = arith.addi %add3A_80, %all_reduce_population_count3A_60 : vector<16xi32>
      %add3A_82 = arith.addi %scan3A_23, %all_reduce_population_count3A_59 : vector<16xi32>
      %add3A_83 = arith.addi %add3A_82, %all_reduce_population_count3A_61 : vector<16xi32>
      scf.yield %add3A_81, %add3A_83 : vector<16xi32>, vector<16xi32>
    }
    %scan3A_20 = arith.constant 64 : i32
    "tpu.region"() ({
      %run_scoped3A = tpu.sem_alloc : memref<!tpu.dma_semaphore, #tpu.memory_space<semaphore_mem>>
      %dma_start3A = arith.constant 0 : i32
      %dma_start3A_21 = tpu.memref_slice %arg4[%add3A, %dma_start3A] : memref<32x2048xf32, #tpu.memory_space<hbm>> -> memref<1x2048xf32, #tpu.memory_space<hbm>>
      %dma_start3A_22 = tpu.memref_squeeze %dma_start3A_21 : memref<1x2048xf32, #tpu.memory_space<hbm>> -> memref<2048xf32, #tpu.memory_space<hbm>>
      %dma_start3A_23 = arith.constant 0 : i32
      %dma_start3A_24 = tpu.memref_slice %arg4[%add3A, %dma_start3A_23] : memref<32x2048xf32, #tpu.memory_space<hbm>> -> memref<1x2048xf32, #tpu.memory_space<hbm>>
      %dma_start3A_25 = tpu.memref_squeeze %dma_start3A_24 : memref<1x2048xf32, #tpu.memory_space<hbm>> -> memref<2048xf32, #tpu.memory_space<hbm>>
      tpu.enqueue_dma source(%arg7 : memref<2048xf32, #tpu.memory_space<vmem>>) target(%dma_start3A_25 : memref<2048xf32, #tpu.memory_space<hbm>>) target_semaphore(%run_scoped3A : memref<!tpu.dma_semaphore, #tpu.memory_space<semaphore_mem>>)
      %dma_wait3A = arith.constant 0 : i32
      %dma_wait3A_26 = tpu.memref_slice %arg4[%add3A, %dma_wait3A] : memref<32x2048xf32, #tpu.memory_space<hbm>> -> memref<1x2048xf32, #tpu.memory_space<hbm>>
      %dma_wait3A_27 = tpu.memref_squeeze %dma_wait3A_26 : memref<1x2048xf32, #tpu.memory_space<hbm>> -> memref<2048xf32, #tpu.memory_space<hbm>>
      %dma_wait3A_28 = arith.constant 0 : i32
      %dma_wait3A_29 = tpu.memref_slice %arg4[%add3A, %dma_wait3A_28] : memref<32x2048xf32, #tpu.memory_space<hbm>> -> memref<1x2048xf32, #tpu.memory_space<hbm>>
      %dma_wait3A_30 = tpu.memref_squeeze %dma_wait3A_29 : memref<1x2048xf32, #tpu.memory_space<hbm>> -> memref<2048xf32, #tpu.memory_space<hbm>>
      tpu.wait_dma2 semaphore(%run_scoped3A : memref<!tpu.dma_semaphore, #tpu.memory_space<semaphore_mem>>) src(%arg7 : memref<2048xf32, #tpu.memory_space<vmem>>) dst(%dma_wait3A_30 : memref<2048xf32, #tpu.memory_space<hbm>>)
      tpu.yield
    }) : () -> ()
    return
  }
}

module attributes {stable_mosaic.version = 14 : i64} {
  func.func @_expert_kernel(%arg0: i32, %arg1: memref<1x1024x768xf32, #tpu.memory_space<vmem>>, %arg2: memref<768x768xf32, #tpu.memory_space<vmem>>, %arg3: memref<1x768xf32, #tpu.memory_space<vmem>>, %arg4: memref<32x1024xf32, #tpu.memory_space<vmem>>, %arg5: memref<1x1024x768xf32, #tpu.memory_space<vmem>>) attributes {dimension_semantics = [#tpu.dimension_semantics<arbitrary>], iteration_bounds = array<i64: 2>, scalar_prefetch = 0 : i64, scratch_operands = 0 : i64, tpu.core_type = #tpu.core_type<tc>, window_params = [{transform_indices = @transform_0, window_bounds = array<i64: 1, 1024, 768>}, {pipeline_mode = #tpu.pipeline_mode<synchronous>, transform_indices = @transform_1, window_bounds = array<i64: 768, 768>}, {pipeline_mode = #tpu.pipeline_mode<synchronous>, transform_indices = @transform_2, window_bounds = array<i64: 1, 768>}, {transform_indices = @transform_3, window_bounds = array<i64: 32, 1024>}, {transform_indices = @transform_4, window_bounds = array<i64: 1, 1024, 768>}]} {
    %get3A = arith.constant 0 : index
    %get3A_0 = arith.constant 0 : index
    %get3A_1 = vector.load %arg4[%get3A, %get3A_0] : memref<32x1024xf32, #tpu.memory_space<vmem>>, vector<32x1024xf32>
    %reduce_sum3A = arith.constant dense<0.000000e+00> : vector<1024xf32>
    %reduce_sum3A_2 = vector.multi_reduction <add>, %get3A_1, %reduce_sum3A [0] : vector<32x1024xf32> to vector<1024xf32>
    %broadcast_in_dim3A = vector.shape_cast %reduce_sum3A_2 : vector<1024xf32> to vector<1x1024xf32>
    %broadcast_in_dim3A_3 = arith.constant 1.000000e+00 : f32
    %broadcast_in_dim3A_4 = vector.broadcast %broadcast_in_dim3A_3 : f32 to vector<1x1xf32>
    %dot_general3A = arith.constant dense<0.000000e+00> : vector<1024x1xf32>
    %dot_general3A_5 = tpu.matmul %broadcast_in_dim3A, %broadcast_in_dim3A_4, %dot_general3A {dimension_numbers = #tpu.dot_dimension_numbers<[0], [0], [1], [1], [0, 1, 1, 1], [], []>, transpose_lhs_hint = false} : vector<1x1024xf32>, vector<1x1xf32>, vector<1024x1xf32> -> vector<1024x1xf32>
    %get3A_6 = arith.constant 0 : index
    %get3A_7 = arith.constant 0 : index
    %get3A_8 = arith.constant 0 : index
    %get3A_9 = vector.load %arg1[%get3A_6, %get3A_7, %get3A_8] : memref<1x1024x768xf32, #tpu.memory_space<vmem>>, vector<1x1024x768xf32>
    %get3A_10 = vector.shape_cast %get3A_9 : vector<1x1024x768xf32> to vector<1024x768xf32>
    %get3A_11 = arith.constant 0 : index
    %get3A_12 = arith.constant 0 : index
    %get3A_13 = vector.load %arg2[%get3A_11, %get3A_12] : memref<768x768xf32, #tpu.memory_space<vmem>>, vector<768x768xf32>
    %dot_general3A_14 = arith.constant dense<0.000000e+00> : vector<1024x768xf32>
    %dot_general3A_15 = tpu.matmul %get3A_10, %get3A_13, %dot_general3A_14 {dimension_numbers = #tpu.dot_dimension_numbers<[1], [1], [0], [0], [0, 0, 1, 0], [], []>, transpose_lhs_hint = false} : vector<1024x768xf32>, vector<768x768xf32>, vector<1024x768xf32> -> vector<1024x768xf32>
    %get3A_16 = arith.constant 0 : index
    %get3A_17 = arith.constant 0 : index
    %get3A_18 = vector.load %arg3[%get3A_16, %get3A_17] : memref<1x768xf32, #tpu.memory_space<vmem>>, vector<1x768xf32>
    %add3A = vector.broadcast %get3A_18 : vector<1x768xf32> to vector<1024x768xf32>
    %add3A_19 = arith.addf %dot_general3A_15, %add3A : vector<1024x768xf32>
    %mul3A = vector.broadcast %dot_general3A_5 : vector<1024x1xf32> to vector<1024x768xf32>
    %mul3A_20 = arith.mulf %add3A_19, %mul3A : vector<1024x768xf32>
    %broadcast_in_dim3A_21 = vector.shape_cast %mul3A_20 : vector<1024x768xf32> to vector<1x1024x768xf32>
    %swap3A = arith.constant 0 : index
    %swap3A_22 = arith.constant 0 : index
    %swap3A_23 = arith.constant 0 : index
    %swap3A_24 = vector.load %arg5[%swap3A, %swap3A_22, %swap3A_23] : memref<1x1024x768xf32, #tpu.memory_space<vmem>>, vector<1x1024x768xf32>
    tpu.vector_store %arg5[%swap3A, %swap3A_22, %swap3A_23], %broadcast_in_dim3A_21 {strides = array<i32>} : memref<1x1024x768xf32, #tpu.memory_space<vmem>>, vector<1x1024x768xf32>,
    return
  }
  func.func @transform_0(%arg0: i32) -> (i32, i32, i32) {
    %c0_i32 = arith.constant 0 : i32
    %c0_i32_0 = arith.constant 0 : i32
    %c0_i32_1 = arith.constant 0 : i32
    return %c0_i32, %arg0, %c0_i32_0 : i32, i32, i32
  }
  func.func @transform_1(%arg0: i32) -> (i32, i32) {
    %c0_i32 = arith.constant 0 : i32
    %c0_i32_0 = arith.constant 0 : i32
    %c0_i32_1 = arith.constant 0 : i32
    return %c0_i32, %c0_i32_0 : i32, i32
  }
  func.func @transform_2(%arg0: i32) -> (i32, i32) {
    %c0_i32 = arith.constant 0 : i32
    %c0_i32_0 = arith.constant 0 : i32
    %c0_i32_1 = arith.constant 0 : i32
    return %c0_i32, %c0_i32_0 : i32, i32
  }
  func.func @transform_3(%arg0: i32) -> (i32, i32) {
    %c0_i32 = arith.constant 0 : i32
    %c0_i32_0 = arith.constant 0 : i32
    return %c0_i32, %arg0 : i32, i32
  }
  func.func @transform_4(%arg0: i32) -> (i32, i32, i32) {
    %c0_i32 = arith.constant 0 : i32
    %c0_i32_0 = arith.constant 0 : i32
    %c0_i32_1 = arith.constant 0 : i32
    return %c0_i32, %arg0, %c0_i32_0 : i32, i32, i32
  }
}

module attributes {stable_mosaic.version = 14 : i64} {
  func.func @_router_kernel(%arg0: i32, %arg1: memref<1x1024x768xf32, #tpu.memory_space<vmem>>, %arg2: memref<768x64xf32, #tpu.memory_space<vmem>>, %arg3: memref<1x1x1024xi32, #tpu.memory_space<vmem>>, %arg4: memref<1x1x1024xf32, #tpu.memory_space<vmem>>) attributes {dimension_semantics = [#tpu.dimension_semantics<arbitrary>], iteration_bounds = array<i64: 2>, scalar_prefetch = 0 : i64, scratch_operands = 0 : i64, tpu.core_type = #tpu.core_type<tc>, window_params = [{transform_indices = @transform_0, window_bounds = array<i64: 1, 1024, 768>}, {pipeline_mode = #tpu.pipeline_mode<synchronous>, transform_indices = @transform_1, window_bounds = array<i64: 768, 64>}, {transform_indices = @transform_2, window_bounds = array<i64: 1, 1, 1024>}, {transform_indices = @transform_3, window_bounds = array<i64: 1, 1, 1024>}]} {
    %get3A = arith.constant 0 : index
    %get3A_0 = arith.constant 0 : index
    %get3A_1 = arith.constant 0 : index
    %get3A_2 = vector.load %arg1[%get3A, %get3A_0, %get3A_1] : memref<1x1024x768xf32, #tpu.memory_space<vmem>>, vector<1x1024x768xf32>
    %get3A_3 = vector.shape_cast %get3A_2 : vector<1x1024x768xf32> to vector<1024x768xf32>
    %get3A_4 = arith.constant 0 : index
    %get3A_5 = arith.constant 0 : index
    %get3A_6 = vector.load %arg2[%get3A_4, %get3A_5] : memref<768x64xf32, #tpu.memory_space<vmem>>, vector<768x64xf32>
    %dot_general3A = arith.constant dense<0.000000e+00> : vector<64x1024xf32>
    %dot_general3A_7 = tpu.matmul %get3A_6, %get3A_3, %dot_general3A {dimension_numbers = #tpu.dot_dimension_numbers<[0], [1], [1], [0], [0, 1, 1, 0], [], []>, transpose_lhs_hint = false} : vector<768x64xf32>, vector<1024x768xf32>, vector<64x1024xf32> -> vector<64x1024xf32>
    %reduce_max3A = arith.constant dense<0xFF800000> : vector<1024xf32>
    %reduce_max3A_8 = vector.multi_reduction <maximumf>, %dot_general3A_7, %reduce_max3A [0] : vector<64x1024xf32> to vector<1024xf32>
    %broadcast_in_dim3A = vector.shape_cast %reduce_max3A_8 : vector<1024xf32> to vector<1x1024xf32>
    %sub3A = vector.broadcast %broadcast_in_dim3A : vector<1x1024xf32> to vector<64x1024xf32>
    %sub3A_9 = arith.subf %dot_general3A_7, %sub3A : vector<64x1024xf32>
    %exp3A = math.exp %sub3A_9 : vector<64x1024xf32>
    %reduce_sum3A = arith.constant dense<0.000000e+00> : vector<1024xf32>
    %reduce_sum3A_10 = vector.multi_reduction <add>, %exp3A, %reduce_sum3A [0] : vector<64x1024xf32> to vector<1024xf32>
    %broadcast_in_dim3A_11 = vector.shape_cast %reduce_sum3A_10 : vector<1024xf32> to vector<1x1024xf32>
    %div3A = vector.broadcast %broadcast_in_dim3A_11 : vector<1x1024xf32> to vector<64x1024xf32>
    %div3A_12 = arith.divf %exp3A, %div3A : vector<64x1024xf32>
    %reduce_max3A_13 = arith.constant dense<0xFF800000> : vector<1024xf32>
    %reduce_max3A_14 = vector.multi_reduction <maximumf>, %div3A_12, %reduce_max3A_13 [0] : vector<64x1024xf32> to vector<1024xf32>
    %broadcast_in_dim3A_15 = vector.shape_cast %reduce_max3A_14 : vector<1024xf32> to vector<1x1024xf32>
    %iota3A = tpu.iota {dimensions = array<i32: 0>} : vector<64x1024xi32>
    %eq3A = vector.broadcast %broadcast_in_dim3A_15 : vector<1x1024xf32> to vector<64x1024xf32>
    %eq3A_16 = arith.cmpf oeq, %div3A_12, %eq3A : vector<64x1024xf32>
    %jit3A = arith.constant 64 : i32
    %broadcast_in_dim3A_17 = vector.broadcast %jit3A : i32 to vector<64x1024xi32>
    %select_n3A = arith.select %eq3A_16, %iota3A, %broadcast_in_dim3A_17 : vector<64x1024xi1>, vector<64x1024xi32>
    %reduce_min3A = arith.constant dense<2147483647> : vector<1024xi32>
    %reduce_min3A_18 = vector.multi_reduction <minsi>, %select_n3A, %reduce_min3A [0] : vector<64x1024xi32> to vector<1024xi32>
    %broadcast_in_dim3A_19 = vector.shape_cast %reduce_min3A_18 : vector<1024xi32> to vector<1x1024xi32>
    %broadcast_in_dim3A_20 = vector.shape_cast %broadcast_in_dim3A_19 : vector<1x1024xi32> to vector<1x1x1024xi32>
    %swap3A = arith.constant 0 : index
    %swap3A_21 = arith.constant 0 : index
    %swap3A_22 = arith.constant 0 : index
    %swap3A_23 = vector.load %arg3[%swap3A, %swap3A_21, %swap3A_22] : memref<1x1x1024xi32, #tpu.memory_space<vmem>>, vector<1x1x1024xi32>
    tpu.vector_store %arg3[%swap3A, %swap3A_21, %swap3A_22], %broadcast_in_dim3A_20 {strides = array<i32>} : memref<1x1x1024xi32, #tpu.memory_space<vmem>>, vector<1x1x1024xi32>,
    %broadcast_in_dim3A_24 = vector.shape_cast %broadcast_in_dim3A_15 : vector<1x1024xf32> to vector<1x1x1024xf32>
    %swap3A_25 = arith.constant 0 : index
    %swap3A_26 = arith.constant 0 : index
    %swap3A_27 = arith.constant 0 : index
    %swap3A_28 = vector.load %arg4[%swap3A_25, %swap3A_26, %swap3A_27] : memref<1x1x1024xf32, #tpu.memory_space<vmem>>, vector<1x1x1024xf32>
    tpu.vector_store %arg4[%swap3A_25, %swap3A_26, %swap3A_27], %broadcast_in_dim3A_24 {strides = array<i32>} : memref<1x1x1024xf32, #tpu.memory_space<vmem>>, vector<1x1x1024xf32>,
    return
  }
  func.func @transform_0(%arg0: i32) -> (i32, i32, i32) {
    %c0_i32 = arith.constant 0 : i32
    %c0_i32_0 = arith.constant 0 : i32
    %c0_i32_1 = arith.constant 0 : i32
    return %c0_i32, %arg0, %c0_i32_0 : i32, i32, i32
  }
  func.func @transform_1(%arg0: i32) -> (i32, i32) {
    %c0_i32 = arith.constant 0 : i32
    %c0_i32_0 = arith.constant 0 : i32
    %c0_i32_1 = arith.constant 0 : i32
    return %c0_i32, %c0_i32_0 : i32, i32
  }
  func.func @transform_2(%arg0: i32) -> (i32, i32, i32) {
    %c0_i32 = arith.constant 0 : i32
    %c0_i32_0 = arith.constant 0 : i32
    %c0_i32_1 = arith.constant 0 : i32
    return %arg0, %c0_i32, %c0_i32_0 : i32, i32, i32
  }
  func.func @transform_3(%arg0: i32) -> (i32, i32, i32) {
    %c0_i32 = arith.constant 0 : i32
    %c0_i32_0 = arith.constant 0 : i32
    %c0_i32_1 = arith.constant 0 : i32
    return %arg0, %c0_i32, %c0_i32_0 : i32, i32, i32
  }
}

</mosaic_0001>

<sc_bundles>
// kernel: kernel.5.cloned.1.call-start
scs
__scs_entry_jumppad:
0x0: {  	(pc) =	sbr.rel $0x88, $3  }
0x1: {  	(tag) =	ssettag $0x0;
	lr =	simm.s32 $0x1  }
0x2: {  	[smem:$0x3F9D] =	sst lr;
	_ =	strace $0xD0000000  }
0x3: {  	_ = 	snop  }
0x4: {  	_ = 	snop  }
0x5: {  	_ = 	snop  }
0x6: {  	_ = 	snop  }
0x7: {  	_ = 	snop  }
__scs_overlays_trampoline_lowered:
0x8: {  	[smem:$0x3FAC] =	sst s0  }
0x9: {  	[smem:$0x3FAD] =	sst s1  }
0xa: {  	[smem:$0x3FAE] =	sst s2  }
0xb: {  	[smem:$0x3FAF] =	sst s3  }
0xc: {  	[smem:$0x3FB0] =	sst s4  }
0xd: {  	[smem:$0x3FB1] =	sst s5  }
0xe: {  	[smem:$0x3FB2] =	sst s6  }
0xf: {  	[smem:$0x3FB3] =	sst s7  }
0x10: {  	[smem:$0x3FB4] =	sst s8  }
0x11: {  	[smem:$0x3FB5] =	sst s9;
	s0 =	simm.s32 @!p0 $0x0  }
0x12: {  	s1 =	sld [smem:$0x3F9B];
	s0 =	simm.s32 @p0 $0x1  }
0x13: {  	[smem:$0x3FB6] =	sst s0;
	s0 =	simm.s32 @!p1 $0x0  }
0x14: {  	s2 =	sld [smem:$0x3F9A];
	s0 =	simm.s32 @p1 $0x1  }
0x15: {  	[smem:$0x3FB7] =	sst s0;
	s0 =	simm.s32 @!p2 $0x0  }
0x16: {  	s3 =	sld [smem:$0x3FDB];
	s0 =	simm.s32 @p2 $0x1  }
0x17: {  	s4 =	simm.s32 $0x1BF5;
	[smem:$0x3FB9] =	sst s0  }
0x18: {  	s0 =	sld [smem:$0x3F9C];
	_ =	swait.ge [sflag:s4], $0x0  }
0x19: {  	s7 =	sld [smem:$0x3F9D]  }
0x1a: {  	s8 =	sadd.s32 $0xFFFFE003, lr  }
0x1b: {  	s9 =	sadd.s32 $0xFFFFFEF7, lr;
	s5 =	simm.s32 $0xFFFFFFFF;
	p2 =	slt.u32 s8, $0xFFFFF086  }
0x1c: {  	p1 =	slt.u32 s9, $0xF7A;
	s5 =	simm.s32 @!p2 $0x0  }
0x1d: {  	s5 =	simm.s32 @p1 $0x1;
	p0 =	seq.s32 s7, s2  }
0x1e: {  	s7 =	smul.u32 @!p0 $0xF7A, s2;
	p2 =	seq.s32 @!p0 s5, $0x0  }
0x1f: {  	s9 =	smul.u32 $0xF7A, s1;
	s8 =	simm.s32 @!p0 $0x1BF5;
	p2 =	por !p2, p0  }
0x20: {  	[sflag:s8] =	ssyncset.s32 @!p0 $0xFFFFF086;
	s6 =	sadd.s32 @!p0 s3, s7;
	s7 =	simm.s32 @!p0 $0x108  }
0x21: {  	s3 =	sadd.s32 s3, s9;
	s6 =	sadd.s32 @!p0 $0x88, s6;
	s7 =	simm.s32 @p2 $0x1082  }
0x22: {  	[simem:s7], [sflag:s8] =	dma.local @!p0 [hbm:s6], $0xF7A  }
0x23: {  	s9 =	sor.u32 $0xD0000000, s2;
	s6 =	simm.s32 $0x108;
	_ =	swait.ge @!p0 [sflag:s8], $0x0  }
0x24: {  	s3 =	sadd.s32 $0x88, s3;
	s6 =	simm.s32 @!p1 $0x1082;
	[sflag:s4] =	ssyncset.s32 $0xFFFFF086  }
0x25: {  	[simem:s6], [sflag:s4] =	dma.local [hbm:s3], $0xF7A  }
0x26: {  	[smem:$0x3F9D] =	sst s1;
	(tag) =	ssettag s2;
	_ =	strace s9  }
0x27: {  	s1 =	sld [smem:$0x3FAD]  }
0x28: {  	s2 =	sld [smem:$0x3FAE]  }
0x29: {  	s4 =	sld [smem:$0x3FB0]  }
0x2a: {  	p0 =	seq.s32 s5, $0x0;
	s5 =	sld [smem:$0x3FB1]  }
0x2b: {  	s6 =	sld [smem:$0x3FB2]  }
0x2c: {  	s7 =	sld [smem:$0x3FB3]  }
0x2d: {  	s3 =	simm.s32 $0x108;
	s8 =	sld [smem:$0x3FB4]  }
0x2e: {  	s3 =	simm.s32 @!p0 $0x1082;
	s9 =	sld [smem:$0x3FB5]  }
0x2f: {  	lr =	sadd.s32 s0, s3;
	s0 =	sld [smem:$0x3FAC]  }
0x30: {  	s3 =	sld [smem:$0x3FAF]  }
0x31: {  	[smem:$0x3FB8] =	sst s10  }
0x32: {  	s10 =	sld [smem:$0x3FB6];
	_ =	sdelay $0x3  }
0x33: {  	p0 =	seq.s32 s10, $0x1;
	s10 =	sld [smem:$0x3FB8];
	_ =	sdelay $0x3  }
0x34: {  	[smem:$0x3FB8] =	sst s10  }
0x35: {  	s10 =	sld [smem:$0x3FB7];
	_ =	sdelay $0x3  }
0x36: {  	p1 =	seq.s32 s10, $0x1;
	s10 =	sld [smem:$0x3FB8];
	_ =	sdelay $0x3  }
0x37: {  	[smem:$0x3FB8] =	sst s10  }
0x38: {  	s10 =	sld [smem:$0x3FB9]  }
0x39: {  	_ = 	snop;
	(pc) =	sbr.ind lr, $3  }
0x3a: {  	_ = 	snop  }
0x3b: {  	_ = 	snop  }
0x3c: {  	p2 =	seq.s32 s10, $0x1;
	s10 =	sld [smem:$0x3FB8]  }
0x3d: {  	_ =	shalt  }
0x3e: {  	_ =	shalt  }
0x3f: {  	_ =	shalt  }
0x40: {  	_ =	shalt  }
0x41: {  	_ =	shalt  }
0x42: {  	_ =	shalt  }
0x43: {  	_ =	shalt  }
0x44: {  	_ =	shalt  }
0x45: {  	_ =	shalt  }
0x46: {  	_ =	shalt  }
0x47: {  	_ =	shalt  }
0x48: {  	_ =	shalt  }
0x49: {  	_ =	shalt  }
0x4a: {  	_ =	shalt  }
0x4b: {  	_ =	shalt  }
0x4c: {  	_ =	shalt  }
0x4d: {  	_ =	shalt  }
0x4e: {  	_ =	shalt  }
0x4f: {  	_ =	shalt  }
0x50: {  	_ =	shalt  }
0x51: {  	_ =	shalt  }
0x52: {  	_ =	shalt  }
0x53: {  	_ =	shalt  }
0x54: {  	_ =	shalt  }
0x55: {  	_ =	shalt  }
0x56: {  	_ =	shalt  }
0x57: {  	_ =	shalt  }
0x58: {  	_ =	shalt  }
0x59: {  	_ =	shalt  }
0x5a: {  	_ =	shalt  }
0x5b: {  	_ =	shalt  }
0x5c: {  	_ =	shalt  }
0x5d: {  	_ =	shalt  }
0x5e: {  	_ =	shalt  }
0x5f: {  	_ =	shalt  }
0x60: {  	_ =	shalt  }
0x61: {  	_ =	shalt  }
0x62: {  	_ =	shalt  }
0x63: {  	_ =	shalt  }
0x64: {  	_ =	shalt  }
0x65: {  	_ =	shalt  }
0x66: {  	_ =	shalt  }
0x67: {  	_ =	shalt  }
0x68: {  	_ =	shalt  }
0x69: {  	_ =	shalt  }
0x6a: {  	_ =	shalt  }
0x6b: {  	_ =	shalt  }
0x6c: {  	_ =	shalt  }
0x6d: {  	_ =	shalt  }
0x6e: {  	_ =	shalt  }
0x6f: {  	_ =	shalt  }
0x70: {  	_ =	shalt  }
0x71: {  	_ =	shalt  }
0x72: {  	_ =	shalt  }
0x73: {  	_ =	shalt  }
0x74: {  	_ =	shalt  }
0x75: {  	_ =	shalt  }
0x76: {  	_ =	shalt  }
0x77: {  	_ =	shalt  }
0x78: {  	_ =	shalt  }
0x79: {  	_ =	shalt  }
0x7a: {  	_ =	shalt  }
0x7b: {  	_ =	shalt  }
0x7c: {  	_ =	shalt  }
0x7d: {  	_ =	shalt  }
0x7e: {  	_ =	shalt  }
0x7f: {  	_ =	shalt  }
0x80: {  	_ =	shalt  }
0x81: {  	_ =	shalt  }
0x82: {  	_ =	shalt  }
0x83: {  	_ =	shalt  }
0x84: {  	_ =	shalt  }
0x85: {  	_ =	shalt  }
0x86: {  	_ =	shalt  }
0x87: {  	_ =	shalt  }
.Lfunc_end0:
.L_simem_size_0:
called_computation_lowered:
.L_overlay_start_0:
0x88: {  	s2 =	sld [smem:$0x3FD9]  }
0x89: {  	s3 =	sld [smem:$0x3FFE];
	_ =	sdelay $0x1  }
0x8a: {  	s1 =	srdreg.scid  }
0x8b: {  	s0 =	sand.u32 $0x1, s1  }
0x8c: {  	s17 =	sshll.u32 s0, $0xA;
	s2 =	sadd.s32 s3, s2  }
0x8d: {  	s2 =	sadd.s32 s2, s17  }
0x8e: {  	[smem:$0x3FC4] =	sst s2  }
0x8f: {  	_ = 	snop  }
0x90: {  	s2 =	sld [smem:$0x3FD0];
	(tm) =	ssettm $0x1  }
0x91: {  	s18 =	sld [smem:$0x3FFB];
	_ =	sdelay $0x3  }
0x92: {  	_ =	strace s18  }
0x93: {  	s3 =	sld [smem:$0x3FFC];
	_ =	sdelay $0x3  }
0x94: {  	_ =	strace s3  }
0x95: {  	s3 =	sld [smem:$0x3FFD];
	_ =	sdelay $0x3  }
0x96: {  	_ =	strace s3  }
0x97: {  	_ =	strace $0x8FFFFFFF  }
0x98: {  	s19 =	sld [smem:$0x3FDB];
	_ =	sdelay $0x1  }
0x99: {  	s4 =	simm.s32 $_scs_section_size  }
0x9a: {  	s5 =	simm.s32 $_size__tile_overlayer_lowered;
	s6 =	simm.s32 $_tile_overlayer_lowered  }
0x9b: {  	s22 =	simm.s32 $0x1BFF;
	s21 =	sshll.u32 s6, $0x1;
	s3 =	sadd.s32 s4, s19  }
0x9c: {  	s7 =	simm.s32 $0x0;
	s20 =	sshll.u32 s5, $0x1;
	s5 =	sadd.s32 s21, s3  }
0x9d: {  	[timem:s7], [sflag:s22] =	dma.local [hbm:s5], s20  }
0x9e: {  	_ =	swait.ge [sflag:s22], s20  }
0x9f: {  	s4 =	ssub.s32 $0x0, s20;
	[sflag:s22] =	ssyncset.done $0x0  }
0xa0: {  	[sflag:s22] =	ssyncadd.s32 s4;
	_ =	sdelay $0x1  }
0xa1: {  	s23 =	simm.s32 $0x1B8B  }
0xa2: {  	_ =	swait.ge [sflag:s23], $0x1  }
0xa3: {  	[sflag:s23] =	ssyncset.done $0x0  }
0xa4: {  	s25 =	simm.s32 $0x1B8E;
	s24 =	sld [smem:$0x3FFE];
	[sflag:s23] =	ssyncadd.s32 $0xFFFFFFFF  }
0xa5: {  	s26 =	simm.s32 $execute0_lowered;
	[smem:$0x3FD2] =	sst s25  }
0xa6: {  	s5 =	sshll.u32 s26, $0x1;
	_ =	strace $0x80000046;
	[dreg:$0x1] =	wrdreg $0xFFFFFFFF  }
0xa7: {  	s28 =	simm.s32 $_size_execute0_lowered;
	s3 =	sadd.s32 s3, s5;
	[dreg:$0x0] =	wrdreg $0x0  }
0xa8: {  	s5 =	sshll.u32 s28, $0x1;
	[dreg:$0x2] =	wrdreg s3  }
0xa9: {  	[dreg:$0x3] =	wrdreg s5  }
0xaa: {  	[dreg:$0x4] =	wrdreg $0xC0  }
0xab: {  	_ =	task [dreg:s7], $0x5FFFF  }
0xac: {  	[dreg:$0x1] =	wrdreg $0xFFFFFFFF  }
0xad: {  	[dreg:$0x0] =	wrdreg $0x60  }
0xae: {  	[dreg:$0x2] =	wrdreg s24  }
0xaf: {  	[dreg:$0x3] =	wrdreg s2  }
0xb0: {  	[dreg:$0x4] =	wrdreg $0x9  }
0xb1: {  	_ =	task.clear_ibuf [dreg:s7], $0x5FFFF;
	_ =	strace $0x90000046  }
0xb2: {  	s29 =	simm.s32 $0x9;
	_ =	strace $0x80000048  }
0xb3: {  	_ =	swait.ge [sflag:s29], $0x1  }
0xb4: {  	[sflag:s29] =	ssyncadd.s32 $0xFFFFFFFF  }
0xb5: {  	_ =	strace $0x90000048  }
0xb6: {  	_ =	sfence  }
0xb7: {  	s30 =	sld [smem:$0x0];
	_ =	sdelay $0x2  }
0xb8: {  	s31 =	sshll.u32 s1, $0xD;
	s1 =	sshrl.u32 s1, $0x2  }
0xb9: {  	s3 =	sand.u32 $0x4000, s31;
	s1 =	sadd.s32 s1, s30  }
0xba: {  	s0 =	sor.u32 s3, s0;
	s1 =	sshll.u32 s1, $0x11  }
0xbb: {  	s0 =	sor.u32 s1, s0  }
0xbc: {  	s0 =	sadd.s32 $0x8F2B, s0  }
0xbd: {  	[sflag:s0] =	ssyncadd.remote.s32 $0x1  }
0xbe: {  	_ =	sfence.sel $0xFFFF  }
0xbf: {  	[dreg:$0x0] =	wrdreg $0xFFFFFFFF;
	(pc) =	sbr.abs _section_cstart, $3  }
0xc0: {  	[dreg:$0x1] =	wrdreg $0xFFFFFFFF  }
0xc1: {  	_ =	task.clear_ibuf [dreg:s7], $0x2FFFF;
	_ =	strace $0x9FFFFFFF  }
0xc2: {  	(tm) =	ssettm $0x7FFFFFFF  }
0xc3: {  	_ =	shalt  }
tec
execute0_lowered:
.L_overlay_start_1:
0x0: {  	(tag) =	ssettag $0x1  }
0x1: {  	s2 =	rddreg [dreg:$0x0]  }
0x2: {  	s5 =	rddreg [dreg:$0x1]  }
0x3: {  	s0 =	rddreg [dreg:$0x2]  }
0x4: {  	s1 =	simm.s32 $0x0;
	s4 =	srdreg.scid;
	s11 =	simm.s32 $0x1000  }
0x5: {  	s12 =	simm.s32 $0x0;
	[smem:$0x7FF] =	sst s1;
	s3 =	sadd.s32 $0x1400, s2  }
0x6: {  	s6 =	sand.u32 $0x1, s4;
	s4 =	sadd.s32 $0x1600, s2;
	s2 =	stileid.u32  }
0x7: {  	_ =	strace $0x80000047;
	s7 =	sshll.u32 s6, $0x4;
	s6 =	ssub.s32 $0x2, s6  }
0x8: {  	s8 =	sshll.u32 s2, $0x4;
	s7 =	sor.u32 s2, s7;
	s9 =	sshrl.u32 s6, $0x1  }
0x9: {  	s8 =	sand.u32 $0x70, s8;
	s10 =	sshll.u32 s7, $0x8;
	s6 =	ssub.s32 s6, s9  }
0xa: {  	s5 =	sadd.s32 s5, s8;
	s7 =	sshll.u32 s7, $0x1;
	s8 =	simm.s32 $0x800  }
0xb: {  	s9 =	simm.s32 $0x80;
	s31 =	sand.u32 $0x1800, s10;
	s6 =	smax.u32 s6, $0x1;
	v0 =	vmov s7  }
0xc: {  	v2 =	vimm.s32 $0x0;
	s7 =	simm.s32 $0x1;
	s10 =	simm.s32 $0x400;
	s5 =	sadd.s32 s31, s5;
	v1 =	vor.u32 $0x1, v0  }
.LBB2_1:
0xd: {  	[tilespmem:s1], [sflag:$0x1] =	stream.linear.gather [hbm4b:s3+s1], $0x800, $0x38;
	[tilespmem:$0x1800] =	vst v63  }
0xe: {  	_ =	swait.ge [sflag:s7], $0x800  }
0xf: {  	[sflag:s7] =	ssyncset.done $0x0  }
0x10: {  	[sflag:s7] =	ssyncadd.s32 $0xFFFFF800  }
0x11: {  	[tilespmem:s8], [sflag:$0x1] =	stream.linear.gather [hbm4b:s4+s1], $0x800, $0x38;
	[tilespmem:$0x1800] =	vst v63  }
0x12: {  	_ =	swait.ge [sflag:s7], $0x800  }
0x13: {  	[sflag:s7] =	ssyncset.done $0x0  }
0x14: {  	s14 =	simm.s32 $0x0;
	[sflag:s7] =	ssyncadd.s32 $0xFFFFF800  }
0x15: {  	v3 =	vld [tilespmem:s14+$0x10]  }
0x16: {  	v4 =	vld [tilespmem:s14+$0x0];
	_ =	sdelay $0x3  }
0x17: {  	vm0 =	veq.s32 v3, v1  }
0x18: {  	vm1 =	veq.s32 v4, v0;
	v5 =	vsel vm0, $0x1, v2  }
0x19: {  	vm2 =	veq.s32 v4, v1;
	v6 =	vsel vm1, $0x1, v2;
	(xrf0) =	vadd.scan.msk.s32 $0xffff, v5  }
0x1a: {  	s13 =	simm.s32 $0x20;
	vm3 =	veq.s32 v3, v0;
	v4 =	vsel vm2, $0x1, v2;
	(xrf0) =	vadd.scan.msk.s32 $0xffff, v6  }
0x1b: {  	v7 =	vld [tilespmem:s13+$0x0];
	v3 =	vsel vm3, $0x1, v2;
	(xrf0) =	vadd.scan.msk.s32 $0xffff, v4  }
0x1c: {  	v5 =	vld [tilespmem:s13+$0x10];
	(xrf0) =	vadd.scan.msk.s32 $0xffff, v3;
	v3 =	vmpcnt.ones.xlane vm0  }
0x1d: {  	vm4 =	vmmov vm3;
	v4 =	vmpcnt.ones.xlane vm2  }
0x1e: {  	vm6 =	vmmov vm1;
	vm3 =	vmmov vm0;
	vm8 =	vmmov vm2  }
0x1f: {  	v9 =	vmpcnt.ones.xlane vm4;
	v6 =	vmpcnt.ones.xlane vm1;
	v4 =	vadd.s32 v2, v4;
	v8, _, _ =	vpop (xrf0)  }
0x20: {  	vm2 =	veq.s32 v7, v0;
	v8 =	vadd.s32 v8, v4;
	v4 =	vadd.s32 v4, v3;
	v3, _, _ =	vpop (xrf0)  }
0x21: {  	v6 =	vadd.s32 v2, v6;
	vm1 =	veq.s32 v5, v0;
	v10 =	vadd.s32 v2, v3;
	v3, _, _ =	vpop (xrf0)  }
0x22: {  	vm0 =	veq.s32 v5, v1;
	vm5 =	vlt.s32 v8, $0x41;
	v8 =	vadd.s32 v2, v3  }
0x23: {  	v3 =	vadd.s32 v6, v9;
	v5, _, _ =	vpop (xrf0);
	vm5 =	vmand vm3, vm5;
	vm3 =	veq.s32 v7, v1;
	v7 =	vld [tilespmem:s14+$0x800]  }
0x24: {  	vm7 =	vlt.s32 v10, $0x41;
	v10 =	vsel vm0, $0x1, v2;
	v5 =	vadd.s32 v6, v5;
	v6 =	vld [tilespmem:s14+$0x810]  }
0x25: {  	v9 =	vsel vm2, $0x1, v2;
	(xrf0) =	vadd.scan.msk.s32 $0xffff, v10;
	vm7 =	vmand vm6, vm7  }
0x26: {  	v10 =	vsel vm3, $0x1, v2;
	vm6 =	vlt.s32 v8, $0x41;
	(xrf0) =	vadd.scan.msk.s32 $0xffff, v9;
	vm9 =	vlt.s32 v5, $0x41  }
0x27: {  	s15 =	simm.s32 $0x100;
	v8 =	vsel vm1, $0x1, v2;
	vm6 =	vmand vm8, vm6;
	(xrf0) =	vadd.scan.msk.s32 $0xffff, v10;
	vm4 =	vmand vm4, vm9;
	v5 =	vmovc v4  }
.LBB2_2:
0x28: {  	s16 =	sshra.s32 s15, $0x2;
	p0 =	sne.s32 s15, $0x1F80;
	s15 =	sadd.s32 $0x80, s15;
	v9 =	vmpcnt.ones.xlane vm3;
	(xrf0) =	vadd.scan.msk.s32 $0xffff, v8;
	vm6 =	vmor vm7, vm6;
	vm4 =	vmor vm4, vm5  }
0x29: {  	v10 =	vmpcnt.ones.xlane vm2;
	v8 =	vld [tilespmem:s16+$0x10];
	v13 =	vnsel vm6, $0x0, v7;
	v6 =	vnsel vm4, $0x0, v6  }
0x2a: {  	v12 =	vmpcnt.ones.xlane vm0;
	vm7 =	vmmov vm2;
	vm4 =	vmmov vm1;
	v11 =	vld [tilespmem:s16+$0x0];
	[tilespmem:s14+$0x1000] =	vst v13  }
0x2b: {  	vm5 =	vmmov vm0;
	vm6 =	vmmov vm3;
	v4 =	vadd.s32 v4, v9;
	v7, _, _ =	vpop (xrf0);
	[tilespmem:s14+$0x1010] =	vst v6;
	s14 =	smov.u32 s13;
	s13 =	smov.u32 s16  }
0x2c: {  	v6 =	vmpcnt.ones.xlane vm4;
	v7 =	vadd.s32 v7, v4;
	v4 =	vadd.s32 v4, v12;
	v9, _, _ =	vpop (xrf0)  }
0x2d: {  	v10 =	vadd.s32 v3, v10;
	v9 =	vadd.s32 v3, v9;
	vm3 =	vlt.s32 v7, $0x41;
	v3, _, _ =	vpop (xrf0)  }
0x2e: {  	vm1 =	veq.s32 v8, v0;
	v12 =	vadd.s32 v5, v3;
	v3 =	vadd.s32 v10, v6;
	v13, _, _ =	vpop (xrf0)  }
.Ltmp0:
0x2f: {  	vm0 =	veq.s32 v8, v1;
	vm8 =	vlt.s32 v9, $0x41;
	v5 =	vmovc v4;
	vm2 =	veq.s32 v11, v0;
	v6 =	vld [tilespmem:s14+$0x810];
	(pc) =	sbr.rel @p0 .LBB2_2-.Ltmp0, $4  }
0x30: {  	vm5 =	vmand vm5, vm3;
	v9 =	vsel vm0, $0x1, v2;
	v8 =	vsel vm2, $0x1, v2;
	v7 =	vld [tilespmem:s14+$0x800]  }
0x31: {  	vm3 =	veq.s32 v11, v1;
	vm7 =	vmand vm7, vm8;
	(xrf0) =	vadd.scan.msk.s32 $0xffff, v9;
	v9 =	vadd.s32 v10, v13  }
0x32: {  	vm8 =	vlt.s32 v12, $0x41;
	v10 =	vsel vm3, $0x1, v2;
	(xrf0) =	vadd.scan.msk.s32 $0xffff, v8;
	vm9 =	vlt.s32 v9, $0x41  }
0x33: {  	vm6 =	vmand vm6, vm8;
	v8 =	vsel vm1, $0x1, v2;
	(xrf0) =	vadd.scan.msk.s32 $0xffff, v10;
	vm4 =	vmand vm4, vm9  }
0x34: {  	(xrf0) =	vadd.scan.msk.s32 $0xffff, v8  }
0x35: {  	vm6 =	vmor vm7, vm6  }
0x36: {  	v55 =	vmpcnt.ones.xlane vm3;
	vm4 =	vmor vm4, vm5;
	v7 =	vnsel vm6, $0x0, v7  }
0x37: {  	v9 =	vmpcnt.ones.xlane vm2;
	vm1 =	vmmov vm1;
	v6 =	vnsel vm4, $0x0, v6;
	[tilespmem:s14+$0x1000] =	vst v7;
	v56, _, _ =	vpop (xrf0)  }
0x38: {  	vm10 =	vmmov vm2;
	vm0 =	vmmov vm0;
	v4 =	vadd.s32 v4, v55;
	[tilespmem:s14+$0x1010] =	vst v6;
	v57, _, _ =	vpop (xrf0)  }
0x39: {  	vm11 =	vmmov vm3;
	v59 =	vld [tilespmem:s13+$0x800];
	v4 =	vadd.s32 v56, v4;
	v6 =	vadd.s32 v3, v57;
	v58, _, _ =	vpop (xrf0)  }
0x3a: {  	v62 =	vld [tilespmem:s13+$0x810];
	v3 =	vadd.s32 v3, v9;
	vm12 =	vlt.s32 v4, $0x41;
	v60 =	vadd.s32 v5, v58;
	v61, _, _ =	vpop (xrf0)  }
0x3b: {  	vm13 =	vlt.s32 v6, $0x41;
	v3 =	vadd.s32 v3, v61;
	vm14 =	vlt.s32 v60, $0x41  }
0x3c: {  	vm2 =	vmand vm10, vm13;
	vm15 =	vlt.s32 v3, $0x41;
	vm3 =	vmand vm11, vm14  }
0x3d: {  	vm0 =	vmand vm0, vm12;
	vm1 =	vmand vm1, vm15;
	vm2 =	vmor vm2, vm3  }
0x3e: {  	s12 =	sadd.s32 $0x1, s12;
	vm0 =	vmor vm1, vm0;
	v3 =	vnsel vm2, $0x0, v59  }
0x3f: {  	p0 =	sne.s32 s12, s6;
	v63 =	vnsel vm0, $0x0, v62;
	[tilespmem:s13+$0x1000] =	vst v3  }
.Ltmp1:
0x40: {  	[tilespmem:s13+$0x1010] =	vst v63;
	(pc) =	sbr.rel @p0 .LBB2_1-.Ltmp1, $4  }
0x41: {  	[hbm4b:s5+s9] =	stream.strided.scatter [tilespmem:s11], [sflag:$0x1], $0x800, s10, s9, $0x38;
	[tilespmem:$0x1800] =	vst v63  }
0x42: {  	_ =	swait.ge [sflag:s7], $0x800  }
0x43: {  	[sflag:s7] =	ssyncset.done $0x0  }
0x44: {  	[sflag:s7] =	ssyncadd.s32 $0xFFFFF800  }
0x45: {  	_ =	sfence.sel $0x180000  }
0x46: {  	[bflag:$0x0] =	sbarrier.arrive $0xFFFF  }
0x47: {  	p0 =	sne.s32 s2, $0x0;
	_ =	strace $0x90000047  }
0x48: {  	s0 =	sadd.s32 @!p0 $0x100000, s0;
	[bflag:$0x2] =	sbarrier.arrive $0xFFFF  }
0x49: {  	[sflag:s0] =	ssyncadd.tile.s32 @!p0 $0x1;
	_ =	shalt  }
.Lfunc_end2:
_tile_overlayer_lowered:
.L_overlay_start_2:
0x4a: {  	(tag) =	ssettag $0x2  }
0x4b: {  	s0 =	rddreg [dreg:$0x0];
	s2 =	stileid.u32  }
0x4c: {  	s1 =	rddreg [dreg:$0x1];
	p0 =	sne.s32 s2, $0x0  }
0x4d: {  	s3 =	rddreg [dreg:$0x2];
	[bflag:$0x3] =	sbarrier.arrive $0xFFFF;
	s2 =	simm.s32 @!p0 $0x1C01  }
0x4e: {  	[timem:s3], [sflag:s2] =	dma.local @!p0 [hbm:s0], s1  }
0x4f: {  	s0 =	simm.s32 @!p0 $0x1  }
0x50: {  	_ =	swait.ge @!p0 [sflag:s0], s1  }
0x51: {  	s1 =	ssub.s32 @!p0 $0x0, s1;
	[sflag:s0] =	ssyncset.done @!p0 $0x0  }
0x52: {  	[sflag:s0] =	ssyncadd.s32 @!p0 s1  }
0x53: {  	[bflag:$0x3] =	sbarrier.arrive $0xFFFF  }
0x54: {  	_ =	shalt  }

</sc_bundles>
